<compile_context>
chip_gen: v7x
topology: tpu7x:2x2x1
jax: 0.10.2.dev20260603
libtpu: 0.0.44.dev20260713+nightly
codegen_flags: <defaults>
</compile_context>

<pallas_src>
import functools

import jax
import jax.numpy as jnp
from jax import lax
from jax.experimental import pallas as pl
from jax.experimental.pallas import tpu as pltpu
from jax.experimental.pallas import tpu_sc as plsc

N_NODES = 10000
D_FEAT = 128
N_EDGES = 320000

NC = 2
NS = 16
NW = NC * NS
L = 16

EPW = N_EDGES // NW
CH = 80
NCHUNK = EPW // CH

DRAIN = 624
DRAIN_TAIL = N_NODES - NS * DRAIN


def _combine_body(w_ref, x_ref, h_ref, o_ref):
    o_ref[...] = x_ref[...] * w_ref[0] + h_ref[...] * w_ref[1]


def _finish_body(b_ref, p_ref, o_ref):
    s = p_ref[0] + p_ref[1] + b_ref[0]
    o_ref[...] = jax.nn.sigmoid(s)


def _sc_body(y_hbm, src_hbm, dst_hbm, w_hbm, zeros_hbm, out_hbm,
             src_v, dst_v, w_v, rows_v, agg_sh, sem):
    cid = lax.axis_index("c")
    sid = lax.axis_index("s")
    wid = cid * NS + sid

    @pl.when(sid == 0)
    def _():
        pltpu.sync_copy(zeros_hbm, agg_sh)

    plsc.subcore_barrier()

    def chunk_body(c, carry):
        base = wid * EPW + c * CH
        pltpu.sync_copy(src_hbm.at[pl.ds(base, CH)], src_v)
        pltpu.sync_copy(dst_hbm.at[pl.ds(base, CH)], dst_v)
        pltpu.sync_copy(w_hbm.at[pl.ds(base, CH)], w_v)
        pltpu.async_copy(y_hbm.at[src_v], rows_v, sem).wait()

        def edge_body(i, carry2):
            wspl = plsc.load_gather(w_v, [jnp.full((L,), i, jnp.int32)])
            for j in range(D_FEAT // L):
                rows_v[i, pl.ds(j * L, L)] = rows_v[i, pl.ds(j * L, L)] * wspl
            return carry2

        lax.fori_loop(0, CH, edge_body, 0)
        pltpu.sync_copy(rows_v, agg_sh.at[dst_v], add=True)
        return carry

    lax.fori_loop(0, NCHUNK, chunk_body, 0)

    plsc.subcore_barrier()
    pltpu.sync_copy(agg_sh.at[pl.ds(sid * DRAIN, DRAIN)],
                    out_hbm.at[cid, pl.ds(sid * DRAIN, DRAIN)])

    @pl.when(sid == 0)
    def _():
        pltpu.sync_copy(agg_sh.at[pl.ds(NS * DRAIN, DRAIN_TAIL)],
                        out_hbm.at[cid, pl.ds(NS * DRAIN, DRAIN_TAIL)])


_sc_scatter = functools.partial(
    pl.kernel,
    out_type=jax.ShapeDtypeStruct((NC, N_NODES, D_FEAT), jnp.float32),
    mesh=plsc.VectorSubcoreMesh(core_axis_name="c", subcore_axis_name="s",
                                num_cores=NC, num_subcores=NS),
    compiler_params=pltpu.CompilerParams(needs_layout_passes=False),
    scratch_types=[
        pltpu.VMEM((CH,), jnp.int32),
        pltpu.VMEM((CH,), jnp.int32),
        pltpu.VMEM((CH,), jnp.float32),
        pltpu.VMEM((CH, D_FEAT), jnp.float32),
        pltpu.VMEM_SHARED((N_NODES, D_FEAT), jnp.float32),
        pltpu.SemaphoreType.DMA,
    ],
)(_sc_body)


@jax.jit
def kernel(x, hint_matrix, edge_index, edge_weights, W, b):
    xs = x[0]
    hs = hint_matrix[0]
    wv = W[:, 0]
    src = edge_index[0]
    dst = edge_index[1]

    rb = 1000
    y = pl.pallas_call(
        _combine_body,
        grid=(N_NODES // rb,),
        in_specs=[
            pl.BlockSpec(memory_space=pltpu.SMEM),
            pl.BlockSpec((rb, D_FEAT), lambda i: (i, 0)),
            pl.BlockSpec((rb, D_FEAT), lambda i: (i, 0)),
        ],
        out_specs=pl.BlockSpec((rb, D_FEAT), lambda i: (i, 0)),
        out_shape=jax.ShapeDtypeStruct((N_NODES, D_FEAT), jnp.float32),
    )(wv, xs, hs)

    zeros = jnp.zeros((N_NODES, D_FEAT), jnp.float32)
    partials = _sc_scatter(y, src, dst, edge_weights, zeros)

    out = pl.pallas_call(
        _finish_body,
        grid=(N_NODES // rb,),
        in_specs=[
            pl.BlockSpec(memory_space=pltpu.SMEM),
            pl.BlockSpec((NC, rb, D_FEAT), lambda i: (0, i, 0)),
        ],
        out_specs=pl.BlockSpec((rb, D_FEAT), lambda i: (i, 0)),
        out_shape=jax.ShapeDtypeStruct((N_NODES, D_FEAT), jnp.float32),
    )(b, partials)

    return out[None]

# --- scband reference (transcript-rebuilt; emitter-appended) ---
"""Pipeline reference for scband-base-gnn-4363686772987 (READ-ONLY COPY).

The authoritative reference and input builder live on the scoring server;
editing this copy changes nothing except your own understanding.
"""

import jax, jax.numpy as jnp
import numpy as np

N_NODES = 10000
D_FEAT = 128
N_EDGES = 320000
BATCH = 1


def setup_inputs(seed: int = 0) -> dict:
    key = jax.random.key(seed)
    k1, k2, k3, k4, k5, k6 = jax.random.split(key, 6)
    x = jax.random.normal(k1, (BATCH, N_NODES, D_FEAT), dtype=jnp.float32)
    # binary hint/missingness mask as in GAIN-style imputation
    hint_matrix = (jax.random.uniform(k2, (BATCH, N_NODES, D_FEAT)) < 0.9).astype(jnp.float32)
    edge_index = jax.random.randint(k3, (2, N_EDGES), 0, N_NODES)  # int32 on default-x64-off jax; values < N_NODES
    edge_weights = jax.random.uniform(k4, (N_EDGES,), dtype=jnp.float32)
    # learned params of the inner GNN discriminator head (self.model):
    # one weighted-adjacency message-passing aggregation over nodes followed by a
    # channel-mixing linear [2 -> 1] (the stacked [x, hint] channel axis).
    W = jax.random.normal(k5, (2, 1), dtype=jnp.float32) * 0.1
    b = jnp.zeros((1,), dtype=jnp.float32)
    return {"x": x, "hint_matrix": hint_matrix, "edge_index": edge_index,
            "edge_weights": edge_weights, "W": W, "b": b}


def reference(x, hint_matrix, edge_index, edge_weights, W, b):
    # input_tensor = torch.stack([x, hint_matrix]).permute(1, 2, 3, 0)
    inp = jnp.stack([x, hint_matrix]).transpose(1, 2, 3, 0)  # [B, N, F, 2]
    src = edge_index[0]
    dst = edge_index[1]
    # self.model(input_tensor, edge_index, edge_weights):
    # weighted message passing over the node axis (gather from src, scatter-add to dst)
    msgs = jnp.take(inp, src, axis=1) * edge_weights[None, :, None, None]  # [B, E, F, 2]
    agg = jnp.zeros_like(inp).at[:, dst].add(msgs)  # [B, N, F, 2]
    out = agg @ W + b  # [B, N, F, 1]
    pred = jnp.squeeze(out, axis=-1)  # .squeeze(dim=-1) -> [B, N, F]
    return jax.nn.sigmoid(pred)

if __name__ == "__main__":
    import jax
    _d = setup_inputs()
    print(jax.jit(kernel)(*tuple(_d.values())))

</pallas_src>

<mosaic_0001>
#map = affine_map<(d0, d1) -> (0, 0)>
#map1 = affine_map<(d0, d1) -> (0)>
#map2 = affine_map<(d0, d1) -> (0, 0, 0)>
module attributes {stable_mosaic.version = 14 : i64} {
  func.func @_sc_body(%arg0: i32, %arg1: i32, %arg2: memref<10000x128xf32, #tpu.memory_space<hbm>>, %arg3: memref<320000xi32, #tpu.memory_space<hbm>>, %arg4: memref<320000xi32, #tpu.memory_space<hbm>>, %arg5: memref<320000xf32, #tpu.memory_space<hbm>>, %arg6: memref<10000x128xf32, #tpu.memory_space<hbm>>, %arg7: memref<2x10000x128xf32, #tpu.memory_space<hbm>>, %arg8: memref<80xi32, #tpu.memory_space<vmem>>, %arg9: memref<80xi32, #tpu.memory_space<vmem>>, %arg10: memref<80xf32, #tpu.memory_space<vmem>>, %arg11: memref<80x128xf32, #tpu.memory_space<vmem>>, %arg12: memref<10000x128xf32, #tpu.memory_space<vmem_shared>>, %arg13: memref<!tpu.dma_semaphore, #tpu.memory_space<semaphore_mem>>) attributes {dimension_semantics = [#tpu.dimension_semantics<core_parallel>, #tpu.dimension_semantics<subcore_parallel>], iteration_bounds = array<i64: 2, 16>, scalar_prefetch = 0 : i64, scratch_operands = 6 : i64, tpu.core_type = #tpu.core_type<sc_vector_subcore>, window_params = [{transform_indices = #map}, {transform_indices = #map1}, {transform_indices = #map1}, {transform_indices = #map1}, {transform_indices = #map}, {transform_indices = #map2}]} {
    %mul3A = arith.constant 16 : i32
    %mul3A_0 = arith.muli %arg0, %mul3A : i32
    %add3A = arith.addi %mul3A_0, %arg1 : i32
    %eq3A = arith.constant 0 : i32
    %eq3A_1 = arith.cmpi eq, %arg1, %eq3A : i32
    %convert_element_type3A = arith.extui %eq3A_1 : i1 to i32
    %cond3A = arith.constant 0 : i32
    %cond3A_2 = arith.cmpi ne, %convert_element_type3A, %cond3A : i32
    scf.if %cond3A_2 {
      "tpu.region"() ({
        %run_scoped3A = tpu.sem_alloc : memref<!tpu.dma_semaphore, #tpu.memory_space<semaphore_mem>>
        tpu.enqueue_dma source(%arg6 : memref<10000x128xf32, #tpu.memory_space<hbm>>) target(%arg12 : memref<10000x128xf32, #tpu.memory_space<vmem_shared>>) target_semaphore(%run_scoped3A : memref<!tpu.dma_semaphore, #tpu.memory_space<semaphore_mem>>)
        tpu.wait_dma2 semaphore(%run_scoped3A : memref<!tpu.dma_semaphore, #tpu.memory_space<semaphore_mem>>) src(%arg6 : memref<10000x128xf32, #tpu.memory_space<hbm>>) dst(%arg12 : memref<10000x128xf32, #tpu.memory_space<vmem_shared>>)
        tpu.yield
      }) : () -> ()
    } else {
    }
    %barrier3A = arith.constant 0 : index
    tpu.barrier barrier_id(%barrier3A)
    %scan3A = arith.constant 0 : i32
    %scan3A_3 = arith.constant 0 : i32
    %scan3A_4 = arith.constant 125 : i32
    %scan3A_5 = arith.addi %scan3A_3, %scan3A_4 : i32
    %scan3A_6 = arith.constant 1 : i32
    scf.for %scan3A_18 = %scan3A_3 to %scan3A_5 step %scan3A_6  : i32 {
      %mul3A_19 = arith.constant 10000 : i32
      %mul3A_20 = arith.muli %add3A, %mul3A_19 : i32
      %mul3A_21 = arith.constant 80 : i32
      %mul3A_22 = arith.muli %scan3A_18, %mul3A_21 : i32
      %add3A_23 = arith.addi %mul3A_20, %mul3A_22 : i32
      "tpu.region"() ({
        %run_scoped3A = tpu.sem_alloc : memref<!tpu.dma_semaphore, #tpu.memory_space<semaphore_mem>>
        %dma_start3A_34 = tpu.memref_slice %arg3[%add3A_23] : memref<320000xi32, #tpu.memory_space<hbm>> -> memref<80xi32, #tpu.memory_space<hbm>>
        %dma_start3A_35 = tpu.memref_slice %arg3[%add3A_23] : memref<320000xi32, #tpu.memory_space<hbm>> -> memref<80xi32, #tpu.memory_space<hbm>>
        tpu.enqueue_dma source(%dma_start3A_35 : memref<80xi32, #tpu.memory_space<hbm>>) target(%arg8 : memref<80xi32, #tpu.memory_space<vmem>>) target_semaphore(%run_scoped3A : memref<!tpu.dma_semaphore, #tpu.memory_space<semaphore_mem>>)
        %dma_wait3A_36 = tpu.memref_slice %arg3[%add3A_23] : memref<320000xi32, #tpu.memory_space<hbm>> -> memref<80xi32, #tpu.memory_space<hbm>>
        %dma_wait3A_37 = tpu.memref_slice %arg3[%add3A_23] : memref<320000xi32, #tpu.memory_space<hbm>> -> memref<80xi32, #tpu.memory_space<hbm>>
        tpu.wait_dma2 semaphore(%run_scoped3A : memref<!tpu.dma_semaphore, #tpu.memory_space<semaphore_mem>>) src(%dma_wait3A_37 : memref<80xi32, #tpu.memory_space<hbm>>) dst(%arg8 : memref<80xi32, #tpu.memory_space<vmem>>)
        tpu.yield
      }) : () -> ()
      "tpu.region"() ({
        %run_scoped3A = tpu.sem_alloc : memref<!tpu.dma_semaphore, #tpu.memory_space<semaphore_mem>>
        %dma_start3A_34 = tpu.memref_slice %arg4[%add3A_23] : memref<320000xi32, #tpu.memory_space<hbm>> -> memref<80xi32, #tpu.memory_space<hbm>>
        %dma_start3A_35 = tpu.memref_slice %arg4[%add3A_23] : memref<320000xi32, #tpu.memory_space<hbm>> -> memref<80xi32, #tpu.memory_space<hbm>>
        tpu.enqueue_dma source(%dma_start3A_35 : memref<80xi32, #tpu.memory_space<hbm>>) target(%arg9 : memref<80xi32, #tpu.memory_space<vmem>>) target_semaphore(%run_scoped3A : memref<!tpu.dma_semaphore, #tpu.memory_space<semaphore_mem>>)
        %dma_wait3A_36 = tpu.memref_slice %arg4[%add3A_23] : memref<320000xi32, #tpu.memory_space<hbm>> -> memref<80xi32, #tpu.memory_space<hbm>>
        %dma_wait3A_37 = tpu.memref_slice %arg4[%add3A_23] : memref<320000xi32, #tpu.memory_space<hbm>> -> memref<80xi32, #tpu.memory_space<hbm>>
        tpu.wait_dma2 semaphore(%run_scoped3A : memref<!tpu.dma_semaphore, #tpu.memory_space<semaphore_mem>>) src(%dma_wait3A_37 : memref<80xi32, #tpu.memory_space<hbm>>) dst(%arg9 : memref<80xi32, #tpu.memory_space<vmem>>)
        tpu.yield
      }) : () -> ()
      "tpu.region"() ({
        %run_scoped3A = tpu.sem_alloc : memref<!tpu.dma_semaphore, #tpu.memory_space<semaphore_mem>>
        %dma_start3A_34 = tpu.memref_slice %arg5[%add3A_23] : memref<320000xf32, #tpu.memory_space<hbm>> -> memref<80xf32, #tpu.memory_space<hbm>>
        %dma_start3A_35 = tpu.memref_slice %arg5[%add3A_23] : memref<320000xf32, #tpu.memory_space<hbm>> -> memref<80xf32, #tpu.memory_space<hbm>>
        tpu.enqueue_dma source(%dma_start3A_35 : memref<80xf32, #tpu.memory_space<hbm>>) target(%arg10 : memref<80xf32, #tpu.memory_space<vmem>>) target_semaphore(%run_scoped3A : memref<!tpu.dma_semaphore, #tpu.memory_space<semaphore_mem>>)
        %dma_wait3A_36 = tpu.memref_slice %arg5[%add3A_23] : memref<320000xf32, #tpu.memory_space<hbm>> -> memref<80xf32, #tpu.memory_space<hbm>>
        %dma_wait3A_37 = tpu.memref_slice %arg5[%add3A_23] : memref<320000xf32, #tpu.memory_space<hbm>> -> memref<80xf32, #tpu.memory_space<hbm>>
        tpu.wait_dma2 semaphore(%run_scoped3A : memref<!tpu.dma_semaphore, #tpu.memory_space<semaphore_mem>>) src(%dma_wait3A_37 : memref<80xf32, #tpu.memory_space<hbm>>) dst(%arg10 : memref<80xf32, #tpu.memory_space<vmem>>)
        tpu.yield
      }) : () -> ()
      %dma_start3A = arith.constant 0 : i32
      %dma_start3A_24 = arith.constant 0 : i32
      %dma_start3A_25 = tpu.memref_slice %arg2[%dma_start3A, %dma_start3A_24] : memref<10000x128xf32, #tpu.memory_space<hbm>> -> memref<10000x128xf32, #tpu.memory_space<hbm>>
      tpu.enqueue_indirect_dma source(%dma_start3A_25 : memref<10000x128xf32, #tpu.memory_space<hbm>>) target(%arg11 : memref<80x128xf32, #tpu.memory_space<vmem>>) offsets(%arg8 : memref<80xi32, #tpu.memory_space<vmem>>) semaphore(%arg13 : memref<!tpu.dma_semaphore, #tpu.memory_space<semaphore_mem>>)
      %dma_wait3A = arith.constant 0 : i32
      %dma_wait3A_26 = arith.constant 0 : i32
      %dma_wait3A_27 = tpu.memref_slice %arg2[%dma_wait3A, %dma_wait3A_26] : memref<10000x128xf32, #tpu.memory_space<hbm>> -> memref<10000x128xf32, #tpu.memory_space<hbm>>
      tpu.wait_indirect_dma semaphore(%arg13 : memref<!tpu.dma_semaphore, #tpu.memory_space<semaphore_mem>>) src(%dma_wait3A_27 : memref<10000x128xf32, #tpu.memory_space<hbm>>) dst(%arg11 : memref<80x128xf32, #tpu.memory_space<vmem>>)
      %scan3A_28 = arith.constant 0 : i32
      %scan3A_29 = arith.constant 0 : i32
      %scan3A_30 = arith.constant 80 : i32
      %scan3A_31 = arith.addi %scan3A_29, %scan3A_30 : i32
      %scan3A_32 = arith.constant 1 : i32
      scf.for %scan3A_34 = %scan3A_29 to %scan3A_31 step %scan3A_32  : i32 {
        %broadcast_in_dim3A = vector.broadcast %scan3A_34 : i32 to vector<16xi32>
        %gather3A = tpu.vector_load_idx %arg10[%broadcast_in_dim3A] : memref<80xf32, #tpu.memory_space<vmem>>[vector<16xi32>], vector<16xf32>,
        %get3A = arith.index_cast %scan3A_34 : i32 to index
        %get3A_35 = arith.constant 0 : index
        %get3A_36 = tpu.vector_load %arg11[%get3A, %get3A_35] {strides = array<i32>} : memref<80x128xf32, #tpu.memory_space<vmem>>, vector<16xf32>,
        %mul3A_37 = arith.mulf %get3A_36, %gather3A : vector<16xf32>
        %swap3A = arith.index_cast %scan3A_34 : i32 to index
        %swap3A_38 = arith.constant 0 : index
        %swap3A_39 = tpu.vector_load %arg11[%swap3A, %swap3A_38] {strides = array<i32>} : memref<80x128xf32, #tpu.memory_space<vmem>>, vector<16xf32>,
        tpu.vector_store %arg11[%swap3A, %swap3A_38], %mul3A_37 {strides = array<i32>} : memref<80x128xf32, #tpu.memory_space<vmem>>, vector<16xf32>,
        %get3A_40 = arith.index_cast %scan3A_34 : i32 to index
        %get3A_41 = arith.constant 16 : index
        %get3A_42 = tpu.vector_load %arg11[%get3A_40, %get3A_41] {strides = array<i32>} : memref<80x128xf32, #tpu.memory_space<vmem>>, vector<16xf32>,
        %mul3A_43 = arith.mulf %get3A_42, %gather3A : vector<16xf32>
        %swap3A_44 = arith.index_cast %scan3A_34 : i32 to index
        %swap3A_45 = arith.constant 16 : index
        %swap3A_46 = tpu.vector_load %arg11[%swap3A_44, %swap3A_45] {strides = array<i32>} : memref<80x128xf32, #tpu.memory_space<vmem>>, vector<16xf32>,
        tpu.vector_store %arg11[%swap3A_44, %swap3A_45], %mul3A_43 {strides = array<i32>} : memref<80x128xf32, #tpu.memory_space<vmem>>, vector<16xf32>,
        %get3A_47 = arith.index_cast %scan3A_34 : i32 to index
        %get3A_48 = arith.constant 32 : index
        %get3A_49 = tpu.vector_load %arg11[%get3A_47, %get3A_48] {strides = array<i32>} : memref<80x128xf32, #tpu.memory_space<vmem>>, vector<16xf32>,
        %mul3A_50 = arith.mulf %get3A_49, %gather3A : vector<16xf32>
        %swap3A_51 = arith.index_cast %scan3A_34 : i32 to index
        %swap3A_52 = arith.constant 32 : index
        %swap3A_53 = tpu.vector_load %arg11[%swap3A_51, %swap3A_52] {strides = array<i32>} : memref<80x128xf32, #tpu.memory_space<vmem>>, vector<16xf32>,
        tpu.vector_store %arg11[%swap3A_51, %swap3A_52], %mul3A_50 {strides = array<i32>} : memref<80x128xf32, #tpu.memory_space<vmem>>, vector<16xf32>,
        %get3A_54 = arith.index_cast %scan3A_34 : i32 to index
        %get3A_55 = arith.constant 48 : index
        %get3A_56 = tpu.vector_load %arg11[%get3A_54, %get3A_55] {strides = array<i32>} : memref<80x128xf32, #tpu.memory_space<vmem>>, vector<16xf32>,
        %mul3A_57 = arith.mulf %get3A_56, %gather3A : vector<16xf32>
        %swap3A_58 = arith.index_cast %scan3A_34 : i32 to index
        %swap3A_59 = arith.constant 48 : index
        %swap3A_60 = tpu.vector_load %arg11[%swap3A_58, %swap3A_59] {strides = array<i32>} : memref<80x128xf32, #tpu.memory_space<vmem>>, vector<16xf32>,
        tpu.vector_store %arg11[%swap3A_58, %swap3A_59], %mul3A_57 {strides = array<i32>} : memref<80x128xf32, #tpu.memory_space<vmem>>, vector<16xf32>,
        %get3A_61 = arith.index_cast %scan3A_34 : i32 to index
        %get3A_62 = arith.constant 64 : index
        %get3A_63 = tpu.vector_load %arg11[%get3A_61, %get3A_62] {strides = array<i32>} : memref<80x128xf32, #tpu.memory_space<vmem>>, vector<16xf32>,
        %mul3A_64 = arith.mulf %get3A_63, %gather3A : vector<16xf32>
        %swap3A_65 = arith.index_cast %scan3A_34 : i32 to index
        %swap3A_66 = arith.constant 64 : index
        %swap3A_67 = tpu.vector_load %arg11[%swap3A_65, %swap3A_66] {strides = array<i32>} : memref<80x128xf32, #tpu.memory_space<vmem>>, vector<16xf32>,
        tpu.vector_store %arg11[%swap3A_65, %swap3A_66], %mul3A_64 {strides = array<i32>} : memref<80x128xf32, #tpu.memory_space<vmem>>, vector<16xf32>,
        %get3A_68 = arith.index_cast %scan3A_34 : i32 to index
        %get3A_69 = arith.constant 80 : index
        %get3A_70 = tpu.vector_load %arg11[%get3A_68, %get3A_69] {strides = array<i32>} : memref<80x128xf32, #tpu.memory_space<vmem>>, vector<16xf32>,
        %mul3A_71 = arith.mulf %get3A_70, %gather3A : vector<16xf32>
        %swap3A_72 = arith.index_cast %scan3A_34 : i32 to index
        %swap3A_73 = arith.constant 80 : index
        %swap3A_74 = tpu.vector_load %arg11[%swap3A_72, %swap3A_73] {strides = array<i32>} : memref<80x128xf32, #tpu.memory_space<vmem>>, vector<16xf32>,
        tpu.vector_store %arg11[%swap3A_72, %swap3A_73], %mul3A_71 {strides = array<i32>} : memref<80x128xf32, #tpu.memory_space<vmem>>, vector<16xf32>,
        %get3A_75 = arith.index_cast %scan3A_34 : i32 to index
        %get3A_76 = arith.constant 96 : index
        %get3A_77 = tpu.vector_load %arg11[%get3A_75, %get3A_76] {strides = array<i32>} : memref<80x128xf32, #tpu.memory_space<vmem>>, vector<16xf32>,
        %mul3A_78 = arith.mulf %get3A_77, %gather3A : vector<16xf32>
        %swap3A_79 = arith.index_cast %scan3A_34 : i32 to index
        %swap3A_80 = arith.constant 96 : index
        %swap3A_81 = tpu.vector_load %arg11[%swap3A_79, %swap3A_80] {strides = array<i32>} : memref<80x128xf32, #tpu.memory_space<vmem>>, vector<16xf32>,
        tpu.vector_store %arg11[%swap3A_79, %swap3A_80], %mul3A_78 {strides = array<i32>} : memref<80x128xf32, #tpu.memory_space<vmem>>, vector<16xf32>,
        %get3A_82 = arith.index_cast %scan3A_34 : i32 to index
        %get3A_83 = arith.constant 112 : index
        %get3A_84 = tpu.vector_load %arg11[%get3A_82, %get3A_83] {strides = array<i32>} : memref<80x128xf32, #tpu.memory_space<vmem>>, vector<16xf32>,
        %mul3A_85 = arith.mulf %get3A_84, %gather3A : vector<16xf32>
        %swap3A_86 = arith.index_cast %scan3A_34 : i32 to index
        %swap3A_87 = arith.constant 112 : index
        %swap3A_88 = tpu.vector_load %arg11[%swap3A_86, %swap3A_87] {strides = array<i32>} : memref<80x128xf32, #tpu.memory_space<vmem>>, vector<16xf32>,
        tpu.vector_store %arg11[%swap3A_86, %swap3A_87], %mul3A_85 {strides = array<i32>} : memref<80x128xf32, #tpu.memory_space<vmem>>, vector<16xf32>,
      }
      %scan3A_33 = arith.constant 80 : i32
      "tpu.region"() ({
        %run_scoped3A = tpu.sem_alloc : memref<!tpu.dma_semaphore, #tpu.memory_space<semaphore_mem>>
        %dma_start3A_34 = arith.constant 0 : i32
        %dma_start3A_35 = arith.constant 0 : i32
        %dma_start3A_36 = tpu.memref_slice %arg12[%dma_start3A_34, %dma_start3A_35] : memref<10000x128xf32, #tpu.memory_space<vmem_shared>> -> memref<10000x128xf32, #tpu.memory_space<vmem_shared>>
        tpu.enqueue_indirect_dma source(%arg11 : memref<80x128xf32, #tpu.memory_space<vmem>>) target(%dma_start3A_36 : memref<10000x128xf32, #tpu.memory_space<vmem_shared>>) offsets(%arg9 : memref<80xi32, #tpu.memory_space<vmem>>) semaphore(%run_scoped3A : memref<!tpu.dma_semaphore, #tpu.memory_space<semaphore_mem>>) {add = true}
        %dma_wait3A_37 = arith.constant 0 : i32
        %dma_wait3A_38 = arith.constant 0 : i32
        %dma_wait3A_39 = tpu.memref_slice %arg12[%dma_wait3A_37, %dma_wait3A_38] : memref<10000x128xf32, #tpu.memory_space<vmem_shared>> -> memref<10000x128xf32, #tpu.memory_space<vmem_shared>>
        tpu.wait_indirect_dma semaphore(%run_scoped3A : memref<!tpu.dma_semaphore, #tpu.memory_space<semaphore_mem>>) src(%arg11 : memref<80x128xf32, #tpu.memory_space<vmem>>) dst(%dma_wait3A_39 : memref<10000x128xf32, #tpu.memory_space<vmem_shared>>)
        tpu.yield
      }) : () -> ()
    }
    %scan3A_7 = arith.constant 125 : i32
    %barrier3A_8 = arith.constant 0 : index
    tpu.barrier barrier_id(%barrier3A_8)
    %mul3A_9 = arith.constant 624 : i32
    %mul3A_10 = arith.muli %arg1, %mul3A_9 : i32
    %mul3A_11 = arith.constant 624 : i32
    %mul3A_12 = arith.muli %arg1, %mul3A_11 : i32
    "tpu.region"() ({
      %run_scoped3A = tpu.sem_alloc : memref<!tpu.dma_semaphore, #tpu.memory_space<semaphore_mem>>
      %dma_start3A = arith.constant 0 : i32
      %dma_start3A_18 = tpu.memref_slice %arg7[%arg0, %mul3A_12, %dma_start3A] : memref<2x10000x128xf32, #tpu.memory_space<hbm>> -> memref<1x624x128xf32, #tpu.memory_space<hbm>>
      %dma_start3A_19 = tpu.memref_squeeze %dma_start3A_18 : memref<1x624x128xf32, #tpu.memory_space<hbm>> -> memref<624x128xf32, #tpu.memory_space<hbm>>
      %dma_start3A_20 = arith.constant 0 : i32
      %dma_start3A_21 = tpu.memref_slice %arg12[%mul3A_10, %dma_start3A_20] : memref<10000x128xf32, #tpu.memory_space<vmem_shared>> -> memref<624x128xf32, #tpu.memory_space<vmem_shared>>
      tpu.enqueue_dma source(%dma_start3A_21 : memref<624x128xf32, #tpu.memory_space<vmem_shared>>) target(%dma_start3A_19 : memref<624x128xf32, #tpu.memory_space<hbm>>) target_semaphore(%run_scoped3A : memref<!tpu.dma_semaphore, #tpu.memory_space<semaphore_mem>>)
      %dma_wait3A = arith.constant 0 : i32
      %dma_wait3A_22 = tpu.memref_slice %arg7[%arg0, %mul3A_12, %dma_wait3A] : memref<2x10000x128xf32, #tpu.memory_space<hbm>> -> memref<1x624x128xf32, #tpu.memory_space<hbm>>
      %dma_wait3A_23 = tpu.memref_squeeze %dma_wait3A_22 : memref<1x624x128xf32, #tpu.memory_space<hbm>> -> memref<624x128xf32, #tpu.memory_space<hbm>>
      %dma_wait3A_24 = arith.constant 0 : i32
      %dma_wait3A_25 = tpu.memref_slice %arg12[%mul3A_10, %dma_wait3A_24] : memref<10000x128xf32, #tpu.memory_space<vmem_shared>> -> memref<624x128xf32, #tpu.memory_space<vmem_shared>>
      tpu.wait_dma2 semaphore(%run_scoped3A : memref<!tpu.dma_semaphore, #tpu.memory_space<semaphore_mem>>) src(%dma_wait3A_25 : memref<624x128xf32, #tpu.memory_space<vmem_shared>>) dst(%dma_wait3A_23 : memref<624x128xf32, #tpu.memory_space<hbm>>)
      tpu.yield
    }) : () -> ()
    %eq3A_13 = arith.constant 0 : i32
    %eq3A_14 = arith.cmpi eq, %arg1, %eq3A_13 : i32
    %convert_element_type3A_15 = arith.extui %eq3A_14 : i1 to i32
    %cond3A_16 = arith.constant 0 : i32
    %cond3A_17 = arith.cmpi ne, %convert_element_type3A_15, %cond3A_16 : i32
    scf.if %cond3A_17 {
      "tpu.region"() ({
        %run_scoped3A = tpu.sem_alloc : memref<!tpu.dma_semaphore, #tpu.memory_space<semaphore_mem>>
        %dma_start3A = arith.constant 9984 : i32
        %dma_start3A_18 = arith.constant 0 : i32
        %dma_start3A_19 = tpu.memref_slice %arg7[%arg0, %dma_start3A, %dma_start3A_18] : memref<2x10000x128xf32, #tpu.memory_space<hbm>> -> memref<1x16x128xf32, #tpu.memory_space<hbm>>
        %dma_start3A_20 = tpu.memref_squeeze %dma_start3A_19 : memref<1x16x128xf32, #tpu.memory_space<hbm>> -> memref<16x128xf32, #tpu.memory_space<hbm>>
        %dma_start3A_21 = arith.constant 9984 : i32
        %dma_start3A_22 = arith.constant 0 : i32
        %dma_start3A_23 = tpu.memref_slice %arg12[%dma_start3A_21, %dma_start3A_22] : memref<10000x128xf32, #tpu.memory_space<vmem_shared>> -> memref<16x128xf32, #tpu.memory_space<vmem_shared>>
        tpu.enqueue_dma source(%dma_start3A_23 : memref<16x128xf32, #tpu.memory_space<vmem_shared>>) target(%dma_start3A_20 : memref<16x128xf32, #tpu.memory_space<hbm>>) target_semaphore(%run_scoped3A : memref<!tpu.dma_semaphore, #tpu.memory_space<semaphore_mem>>)
        %dma_wait3A = arith.constant 9984 : i32
        %dma_wait3A_24 = arith.constant 0 : i32
        %dma_wait3A_25 = tpu.memref_slice %arg7[%arg0, %dma_wait3A, %dma_wait3A_24] : memref<2x10000x128xf32, #tpu.memory_space<hbm>> -> memref<1x16x128xf32, #tpu.memory_space<hbm>>
        %dma_wait3A_26 = tpu.memref_squeeze %dma_wait3A_25 : memref<1x16x128xf32, #tpu.memory_space<hbm>> -> memref<16x128xf32, #tpu.memory_space<hbm>>
        %dma_wait3A_27 = arith.constant 9984 : i32
        %dma_wait3A_28 = arith.constant 0 : i32
        %dma_wait3A_29 = tpu.memref_slice %arg12[%dma_wait3A_27, %dma_wait3A_28] : memref<10000x128xf32, #tpu.memory_space<vmem_shared>> -> memref<16x128xf32, #tpu.memory_space<vmem_shared>>
        tpu.wait_dma2 semaphore(%run_scoped3A : memref<!tpu.dma_semaphore, #tpu.memory_space<semaphore_mem>>) src(%dma_wait3A_29 : memref<16x128xf32, #tpu.memory_space<vmem_shared>>) dst(%dma_wait3A_26 : memref<16x128xf32, #tpu.memory_space<hbm>>)
        tpu.yield
      }) : () -> ()
    } else {
    }
    return
  }
}

module attributes {stable_mosaic.version = 14 : i64} {
  func.func @_finish_body(%arg0: i32, %arg1: memref<1xf32, #tpu.memory_space<smem>>, %arg2: memref<2x1000x128xf32, #tpu.memory_space<vmem>>, %arg3: memref<1000x128xf32, #tpu.memory_space<vmem>>) attributes {dimension_semantics = [#tpu.dimension_semantics<arbitrary>], iteration_bounds = array<i64: 10>, scalar_prefetch = 0 : i64, scratch_operands = 0 : i64, tpu.core_type = #tpu.core_type<tc>, window_params = [{transform_indices = @transform_0, window_bounds = array<i64: 1>}, {transform_indices = @transform_1, window_bounds = array<i64: 2, 1000, 128>}, {transform_indices = @transform_2, window_bounds = array<i64: 1000, 128>}]} {
    %get3A = arith.constant 0 : index
    %get3A_0 = arith.constant 0 : index
    %get3A_1 = arith.constant 0 : index
    %get3A_2 = vector.load %arg2[%get3A, %get3A_0, %get3A_1] : memref<2x1000x128xf32, #tpu.memory_space<vmem>>, vector<1x1000x128xf32>
    %get3A_3 = vector.shape_cast %get3A_2 : vector<1x1000x128xf32> to vector<1000x128xf32>
    %get3A_4 = arith.constant 1 : index
    %get3A_5 = arith.constant 0 : index
    %get3A_6 = arith.constant 0 : index
    %get3A_7 = vector.load %arg2[%get3A_4, %get3A_5, %get3A_6] : memref<2x1000x128xf32, #tpu.memory_space<vmem>>, vector<1x1000x128xf32>
    %get3A_8 = vector.shape_cast %get3A_7 : vector<1x1000x128xf32> to vector<1000x128xf32>
    %add3A = arith.addf %get3A_3, %get3A_8 : vector<1000x128xf32>
    %get3A_9 = arith.constant 0 : index
    %get3A_10 = memref.load %arg1[%get3A_9] : memref<1xf32, #tpu.memory_space<smem>>
    %add3A_11 = vector.broadcast %get3A_10 : f32 to vector<1000x128xf32>
    %add3A_12 = arith.addf %add3A, %add3A_11 : vector<1000x128xf32>
    %logistic3A = arith.negf %add3A_12 : vector<1000x128xf32>
    %logistic3A_13 = math.exp %logistic3A : vector<1000x128xf32>
    %logistic3A_14 = arith.constant 1.000000e+00 : f32
    %logistic3A_15 = vector.broadcast %logistic3A_14 : f32 to vector<1000x128xf32>
    %logistic3A_16 = arith.addf %logistic3A_15, %logistic3A_13 : vector<1000x128xf32>
    %logistic3A_17 = arith.divf %logistic3A_15, %logistic3A_16 : vector<1000x128xf32>
    %swap3A = arith.constant 0 : index
    %swap3A_18 = arith.constant 0 : index
    %swap3A_19 = vector.load %arg3[%swap3A, %swap3A_18] : memref<1000x128xf32, #tpu.memory_space<vmem>>, vector<1000x128xf32>
    tpu.vector_store %arg3[%swap3A, %swap3A_18], %logistic3A_17 {strides = array<i32>} : memref<1000x128xf32, #tpu.memory_space<vmem>>, vector<1000x128xf32>,
    return
  }
  func.func @transform_0(%arg0: i32) -> i32 {
    %c0_i32 = arith.constant 0 : i32
    %c0_i32_0 = arith.constant 0 : i32
    return %c0_i32 : i32
  }
  func.func @transform_1(%arg0: i32) -> (i32, i32, i32) {
    %c0_i32 = arith.constant 0 : i32
    %c0_i32_0 = arith.constant 0 : i32
    %c0_i32_1 = arith.constant 0 : i32
    return %c0_i32, %arg0, %c0_i32_0 : i32, i32, i32
  }
  func.func @transform_2(%arg0: i32) -> (i32, i32) {
    %c0_i32 = arith.constant 0 : i32
    %c0_i32_0 = arith.constant 0 : i32
    return %arg0, %c0_i32 : i32, i32
  }
}

module attributes {stable_mosaic.version = 14 : i64} {
  func.func @_combine_body(%arg0: i32, %arg1: memref<2xf32, #tpu.memory_space<smem>>, %arg2: memref<1000x128xf32, #tpu.memory_space<vmem>>, %arg3: memref<1000x128xf32, #tpu.memory_space<vmem>>, %arg4: memref<1000x128xf32, #tpu.memory_space<vmem>>) attributes {dimension_semantics = [#tpu.dimension_semantics<arbitrary>], iteration_bounds = array<i64: 10>, scalar_prefetch = 0 : i64, scratch_operands = 0 : i64, tpu.core_type = #tpu.core_type<tc>, window_params = [{transform_indices = @transform_0, window_bounds = array<i64: 2>}, {transform_indices = @transform_1, window_bounds = array<i64: 1000, 128>}, {transform_indices = @transform_2, window_bounds = array<i64: 1000, 128>}, {transform_indices = @transform_3, window_bounds = array<i64: 1000, 128>}]} {
    %get3A = arith.constant 0 : index
    %get3A_0 = arith.constant 0 : index
    %get3A_1 = vector.load %arg2[%get3A, %get3A_0] : memref<1000x128xf32, #tpu.memory_space<vmem>>, vector<1000x128xf32>
    %get3A_2 = arith.constant 0 : index
    %get3A_3 = memref.load %arg1[%get3A_2] : memref<2xf32, #tpu.memory_space<smem>>
    %mul3A = vector.broadcast %get3A_3 : f32 to vector<1000x128xf32>
    %mul3A_4 = arith.mulf %get3A_1, %mul3A : vector<1000x128xf32>
    %get3A_5 = arith.constant 0 : index
    %get3A_6 = arith.constant 0 : index
    %get3A_7 = vector.load %arg3[%get3A_5, %get3A_6] : memref<1000x128xf32, #tpu.memory_space<vmem>>, vector<1000x128xf32>
    %get3A_8 = arith.constant 1 : index
    %get3A_9 = memref.load %arg1[%get3A_8] : memref<2xf32, #tpu.memory_space<smem>>
    %mul3A_10 = vector.broadcast %get3A_9 : f32 to vector<1000x128xf32>
    %mul3A_11 = arith.mulf %get3A_7, %mul3A_10 : vector<1000x128xf32>
    %add3A = arith.addf %mul3A_4, %mul3A_11 : vector<1000x128xf32>
    %swap3A = arith.constant 0 : index
    %swap3A_12 = arith.constant 0 : index
    %swap3A_13 = vector.load %arg4[%swap3A, %swap3A_12] : memref<1000x128xf32, #tpu.memory_space<vmem>>, vector<1000x128xf32>
    tpu.vector_store %arg4[%swap3A, %swap3A_12], %add3A {strides = array<i32>} : memref<1000x128xf32, #tpu.memory_space<vmem>>, vector<1000x128xf32>,
    return
  }
  func.func @transform_0(%arg0: i32) -> i32 {
    %c0_i32 = arith.constant 0 : i32
    %c0_i32_0 = arith.constant 0 : i32
    return %c0_i32 : i32
  }
  func.func @transform_1(%arg0: i32) -> (i32, i32) {
    %c0_i32 = arith.constant 0 : i32
    %c0_i32_0 = arith.constant 0 : i32
    return %arg0, %c0_i32 : i32, i32
  }
  func.func @transform_2(%arg0: i32) -> (i32, i32) {
    %c0_i32 = arith.constant 0 : i32
    %c0_i32_0 = arith.constant 0 : i32
    return %arg0, %c0_i32 : i32, i32
  }
  func.func @transform_3(%arg0: i32) -> (i32, i32) {
    %c0_i32 = arith.constant 0 : i32
    %c0_i32_0 = arith.constant 0 : i32
    return %arg0, %c0_i32 : i32, i32
  }
}

</mosaic_0001>

<sc_bundles>
// kernel: kernel.5.cloned.1.call-start
scs
__scs_entry_jumppad:
0x0: {  	(pc) =	sbr.rel $0x88, $3  }
0x1: {  	(tag) =	ssettag $0x0;
	lr =	simm.s32 $0x1  }
0x2: {  	[smem:$0x3F9B] =	sst lr;
	_ =	strace $0xD0000000  }
0x3: {  	_ = 	snop  }
0x4: {  	_ = 	snop  }
0x5: {  	_ = 	snop  }
0x6: {  	_ = 	snop  }
0x7: {  	_ = 	snop  }
__scs_overlays_trampoline_lowered:
0x8: {  	[smem:$0x3FAA] =	sst s0  }
0x9: {  	[smem:$0x3FAB] =	sst s1  }
0xa: {  	[smem:$0x3FAC] =	sst s2  }
0xb: {  	[smem:$0x3FAD] =	sst s3  }
0xc: {  	[smem:$0x3FAE] =	sst s4  }
0xd: {  	[smem:$0x3FAF] =	sst s5  }
0xe: {  	[smem:$0x3FB0] =	sst s6  }
0xf: {  	[smem:$0x3FB1] =	sst s7  }
0x10: {  	[smem:$0x3FB2] =	sst s8  }
0x11: {  	[smem:$0x3FB3] =	sst s9;
	s0 =	simm.s32 @!p0 $0x0  }
0x12: {  	s1 =	sld [smem:$0x3F99];
	s0 =	simm.s32 @p0 $0x1  }
0x13: {  	[smem:$0x3FB4] =	sst s0;
	s0 =	simm.s32 @!p1 $0x0  }
0x14: {  	s2 =	sld [smem:$0x3F98];
	s0 =	simm.s32 @p1 $0x1  }
0x15: {  	[smem:$0x3FB5] =	sst s0;
	s0 =	simm.s32 @!p2 $0x0  }
0x16: {  	s3 =	sld [smem:$0x3FDB];
	s0 =	simm.s32 @p2 $0x1  }
0x17: {  	s4 =	simm.s32 $0x1BF5;
	[smem:$0x3FB7] =	sst s0  }
0x18: {  	s0 =	sld [smem:$0x3F9A];
	_ =	swait.ge [sflag:s4], $0x0  }
0x19: {  	s7 =	sld [smem:$0x3F9B]  }
0x1a: {  	s8 =	sadd.s32 $0xFFFFE003, lr  }
0x1b: {  	s9 =	sadd.s32 $0xFFFFFEF7, lr;
	s5 =	simm.s32 $0xFFFFFFFF;
	p2 =	slt.u32 s8, $0xFFFFF086  }
0x1c: {  	p1 =	slt.u32 s9, $0xF7A;
	s5 =	simm.s32 @!p2 $0x0  }
0x1d: {  	s5 =	simm.s32 @p1 $0x1;
	p0 =	seq.s32 s7, s2  }
0x1e: {  	s7 =	smul.u32 @!p0 $0xF7A, s2;
	p2 =	seq.s32 @!p0 s5, $0x0  }
0x1f: {  	s9 =	smul.u32 $0xF7A, s1;
	s8 =	simm.s32 @!p0 $0x1BF5;
	p2 =	por !p2, p0  }
0x20: {  	[sflag:s8] =	ssyncset.s32 @!p0 $0xFFFFF086;
	s6 =	sadd.s32 @!p0 s3, s7;
	s7 =	simm.s32 @!p0 $0x108  }
0x21: {  	s3 =	sadd.s32 s3, s9;
	s6 =	sadd.s32 @!p0 $0x88, s6;
	s7 =	simm.s32 @p2 $0x1082  }
0x22: {  	[simem:s7], [sflag:s8] =	dma.local @!p0 [hbm:s6], $0xF7A  }
0x23: {  	s9 =	sor.u32 $0xD0000000, s2;
	s6 =	simm.s32 $0x108;
	_ =	swait.ge @!p0 [sflag:s8], $0x0  }
0x24: {  	s3 =	sadd.s32 $0x88, s3;
	s6 =	simm.s32 @!p1 $0x1082;
	[sflag:s4] =	ssyncset.s32 $0xFFFFF086  }
0x25: {  	[simem:s6], [sflag:s4] =	dma.local [hbm:s3], $0xF7A  }
0x26: {  	[smem:$0x3F9B] =	sst s1;
	(tag) =	ssettag s2;
	_ =	strace s9  }
0x27: {  	s1 =	sld [smem:$0x3FAB]  }
0x28: {  	s2 =	sld [smem:$0x3FAC]  }
0x29: {  	s4 =	sld [smem:$0x3FAE]  }
0x2a: {  	p0 =	seq.s32 s5, $0x0;
	s5 =	sld [smem:$0x3FAF]  }
0x2b: {  	s6 =	sld [smem:$0x3FB0]  }
0x2c: {  	s7 =	sld [smem:$0x3FB1]  }
0x2d: {  	s3 =	simm.s32 $0x108;
	s8 =	sld [smem:$0x3FB2]  }
0x2e: {  	s3 =	simm.s32 @!p0 $0x1082;
	s9 =	sld [smem:$0x3FB3]  }
0x2f: {  	lr =	sadd.s32 s0, s3;
	s0 =	sld [smem:$0x3FAA]  }
0x30: {  	s3 =	sld [smem:$0x3FAD]  }
0x31: {  	[smem:$0x3FB6] =	sst s10  }
0x32: {  	s10 =	sld [smem:$0x3FB4];
	_ =	sdelay $0x3  }
0x33: {  	p0 =	seq.s32 s10, $0x1;
	s10 =	sld [smem:$0x3FB6];
	_ =	sdelay $0x3  }
0x34: {  	[smem:$0x3FB6] =	sst s10  }
0x35: {  	s10 =	sld [smem:$0x3FB5];
	_ =	sdelay $0x3  }
0x36: {  	p1 =	seq.s32 s10, $0x1;
	s10 =	sld [smem:$0x3FB6];
	_ =	sdelay $0x3  }
0x37: {  	[smem:$0x3FB6] =	sst s10  }
0x38: {  	s10 =	sld [smem:$0x3FB7]  }
0x39: {  	_ = 	snop;
	(pc) =	sbr.ind lr, $3  }
0x3a: {  	_ = 	snop  }
0x3b: {  	_ = 	snop  }
0x3c: {  	p2 =	seq.s32 s10, $0x1;
	s10 =	sld [smem:$0x3FB6]  }
0x3d: {  	_ =	shalt  }
0x3e: {  	_ =	shalt  }
0x3f: {  	_ =	shalt  }
0x40: {  	_ =	shalt  }
0x41: {  	_ =	shalt  }
0x42: {  	_ =	shalt  }
0x43: {  	_ =	shalt  }
0x44: {  	_ =	shalt  }
0x45: {  	_ =	shalt  }
0x46: {  	_ =	shalt  }
0x47: {  	_ =	shalt  }
0x48: {  	_ =	shalt  }
0x49: {  	_ =	shalt  }
0x4a: {  	_ =	shalt  }
0x4b: {  	_ =	shalt  }
0x4c: {  	_ =	shalt  }
0x4d: {  	_ =	shalt  }
0x4e: {  	_ =	shalt  }
0x4f: {  	_ =	shalt  }
0x50: {  	_ =	shalt  }
0x51: {  	_ =	shalt  }
0x52: {  	_ =	shalt  }
0x53: {  	_ =	shalt  }
0x54: {  	_ =	shalt  }
0x55: {  	_ =	shalt  }
0x56: {  	_ =	shalt  }
0x57: {  	_ =	shalt  }
0x58: {  	_ =	shalt  }
0x59: {  	_ =	shalt  }
0x5a: {  	_ =	shalt  }
0x5b: {  	_ =	shalt  }
0x5c: {  	_ =	shalt  }
0x5d: {  	_ =	shalt  }
0x5e: {  	_ =	shalt  }
0x5f: {  	_ =	shalt  }
0x60: {  	_ =	shalt  }
0x61: {  	_ =	shalt  }
0x62: {  	_ =	shalt  }
0x63: {  	_ =	shalt  }
0x64: {  	_ =	shalt  }
0x65: {  	_ =	shalt  }
0x66: {  	_ =	shalt  }
0x67: {  	_ =	shalt  }
0x68: {  	_ =	shalt  }
0x69: {  	_ =	shalt  }
0x6a: {  	_ =	shalt  }
0x6b: {  	_ =	shalt  }
0x6c: {  	_ =	shalt  }
0x6d: {  	_ =	shalt  }
0x6e: {  	_ =	shalt  }
0x6f: {  	_ =	shalt  }
0x70: {  	_ =	shalt  }
0x71: {  	_ =	shalt  }
0x72: {  	_ =	shalt  }
0x73: {  	_ =	shalt  }
0x74: {  	_ =	shalt  }
0x75: {  	_ =	shalt  }
0x76: {  	_ =	shalt  }
0x77: {  	_ =	shalt  }
0x78: {  	_ =	shalt  }
0x79: {  	_ =	shalt  }
0x7a: {  	_ =	shalt  }
0x7b: {  	_ =	shalt  }
0x7c: {  	_ =	shalt  }
0x7d: {  	_ =	shalt  }
0x7e: {  	_ =	shalt  }
0x7f: {  	_ =	shalt  }
0x80: {  	_ =	shalt  }
0x81: {  	_ =	shalt  }
0x82: {  	_ =	shalt  }
0x83: {  	_ =	shalt  }
0x84: {  	_ =	shalt  }
0x85: {  	_ =	shalt  }
0x86: {  	_ =	shalt  }
0x87: {  	_ =	shalt  }
.Lfunc_end0:
.L_simem_size_0:
called_computation_lowered:
.L_overlay_start_0:
0x88: {  	s2 =	sld [smem:$0x3FD9]  }
0x89: {  	s3 =	sld [smem:$0x3FFE];
	_ =	sdelay $0x1  }
0x8a: {  	s1 =	srdreg.scid  }
0x8b: {  	s0 =	sand.u32 $0x1, s1  }
0x8c: {  	s17 =	sshll.u32 s0, $0xA;
	s2 =	sadd.s32 s3, s2  }
0x8d: {  	s2 =	sadd.s32 s2, s17  }
0x8e: {  	[smem:$0x3FC2] =	sst s2  }
0x8f: {  	_ = 	snop  }
0x90: {  	s2 =	sld [smem:$0x3FC6]  }
0x91: {  	s18 =	sld [smem:$0x3FD0];
	(tm) =	ssettm $0x1  }
0x92: {  	s4 =	sld [smem:$0x3FFB];
	_ =	sdelay $0x3  }
0x93: {  	_ =	strace s4  }
0x94: {  	s4 =	sld [smem:$0x3FFC];
	_ =	sdelay $0x3  }
0x95: {  	_ =	strace s4  }
0x96: {  	s4 =	sld [smem:$0x3FFD];
	_ =	sdelay $0x3  }
0x97: {  	_ =	strace s4  }
0x98: {  	_ =	strace $0x8FFFFFFF  }
0x99: {  	s19 =	sld [smem:$0x3FDB];
	_ =	sdelay $0x1  }
0x9a: {  	s5 =	simm.s32 $_scs_section_size  }
0x9b: {  	s6 =	simm.s32 $_size__tile_overlayer_lowered;
	s7 =	simm.s32 $_tile_overlayer_lowered  }
0x9c: {  	s22 =	simm.s32 $0x1BFF;
	s21 =	sshll.u32 s7, $0x1;
	s4 =	sadd.s32 s5, s19  }
0x9d: {  	s8 =	simm.s32 $0x0;
	s20 =	sshll.u32 s6, $0x1;
	s6 =	sadd.s32 s21, s4  }
0x9e: {  	[timem:s8], [sflag:s22] =	dma.local [hbm:s6], s20  }
0x9f: {  	_ =	swait.ge [sflag:s22], s20  }
0xa0: {  	s5 =	ssub.s32 $0x0, s20;
	[sflag:s22] =	ssyncset.done $0x0  }
0xa1: {  	[sflag:s22] =	ssyncadd.s32 s5;
	_ =	sdelay $0x1  }
0xa2: {  	s23 =	simm.s32 $0x1B8B  }
0xa3: {  	_ =	swait.ge [sflag:s23], $0x1  }
0xa4: {  	[sflag:s23] =	ssyncset.done $0x0  }
0xa5: {  	s25 =	simm.s32 $0x1B8E;
	s24 =	sld [smem:$0x3FFE];
	[sflag:s23] =	ssyncadd.s32 $0xFFFFFFFF  }
0xa6: {  	s26 =	simm.s32 $execute0_lowered;
	[smem:$0x3FD2] =	sst s25  }
0xa7: {  	s6 =	sshll.u32 s26, $0x1;
	_ =	strace $0x80000046;
	[dreg:$0x1] =	wrdreg $0xFFFFFFFF  }
0xa8: {  	s28 =	simm.s32 $_size_execute0_lowered;
	s4 =	sadd.s32 s4, s6;
	[dreg:$0x0] =	wrdreg $0x0  }
0xa9: {  	s6 =	sshll.u32 s28, $0x1;
	[dreg:$0x2] =	wrdreg s4  }
0xaa: {  	[dreg:$0x3] =	wrdreg s6  }
0xab: {  	[dreg:$0x4] =	wrdreg $0xC0  }
0xac: {  	_ =	task [dreg:s8], $0x5FFFF  }
0xad: {  	[dreg:$0x1] =	wrdreg $0xFFFFFFFF  }
0xae: {  	[dreg:$0x0] =	wrdreg $0x60  }
0xaf: {  	[dreg:$0x2] =	wrdreg s18  }
0xb0: {  	[dreg:$0x3] =	wrdreg s24  }
0xb1: {  	[dreg:$0x4] =	wrdreg s2  }
0xb2: {  	[dreg:$0x5] =	wrdreg $0x29800  }
0xb3: {  	[dreg:$0x6] =	wrdreg $0x9  }
0xb4: {  	_ =	task.clear_ibuf [dreg:s8], $0x7FFFF;
	_ =	strace $0x90000046  }
0xb5: {  	s29 =	simm.s32 $0x9;
	_ =	strace $0x80000048  }
0xb6: {  	_ =	swait.ge [sflag:s29], $0x1  }
0xb7: {  	[sflag:s29] =	ssyncadd.s32 $0xFFFFFFFF  }
0xb8: {  	_ =	strace $0x90000048  }
0xb9: {  	_ =	sfence  }
0xba: {  	s30 =	sld [smem:$0x0];
	_ =	sdelay $0x2  }
0xbb: {  	s31 =	sshll.u32 s1, $0xD;
	s1 =	sshrl.u32 s1, $0x2  }
0xbc: {  	s3 =	sand.u32 $0x4000, s31;
	s1 =	sadd.s32 s1, s30  }
0xbd: {  	s0 =	sor.u32 s3, s0;
	s1 =	sshll.u32 s1, $0x11  }
0xbe: {  	s0 =	sor.u32 s1, s0  }
0xbf: {  	s0 =	sadd.s32 $0x8F2B, s0  }
0xc0: {  	[sflag:s0] =	ssyncadd.remote.s32 $0x1  }
0xc1: {  	_ =	sfence.sel $0xFFFF  }
0xc2: {  	[dreg:$0x0] =	wrdreg $0xFFFFFFFF;
	(pc) =	sbr.abs _section_cstart, $3  }
0xc3: {  	[dreg:$0x1] =	wrdreg $0xFFFFFFFF  }
0xc4: {  	_ =	task.clear_ibuf [dreg:s8], $0x2FFFF;
	_ =	strace $0x9FFFFFFF  }
0xc5: {  	(tm) =	ssettm $0x7FFFFFFF  }
tec
execute0_lowered:
.L_overlay_start_1:
0x0: {  	(tag) =	ssettag $0x1  }
0x1: {  	s1 =	rddreg [dreg:$0x0]  }
0x2: {  	s8 =	rddreg [dreg:$0x1]  }
0x3: {  	s2 =	rddreg [dreg:$0x2]  }
0x4: {  	s3 =	rddreg [dreg:$0x3]  }
0x5: {  	s0 =	rddreg [dreg:$0x4];
	s4 =	simm.s32 $0x0;
	s9 =	srdreg.scid  }
0x6: {  	s19 =	stileid.u32;
	s15 =	simm.s32 $0x100;
	s16 =	simm.s32 $0x50  }
0x7: {  	s17 =	simm.s32 $0x180;
	s18 =	simm.s32 $0x1;
	[smem:$0x7FF] =	sst s4  }
0x8: {  	s5 =	sadd.s32 $0xA400, s8;
	s6 =	sadd.s32 $0x600, s8;
	s7 =	sadd.s32 $0x14200, s8  }
0x9: {  	s9 =	sand.u32 $0x1, s9;
	s10 =	sadd.s32 $0x3B400, s8;
	s12 =	smul.u32 $0x13800, s19  }
0xa: {  	s14 =	smul.u32 $0x4E000, s19;
	s21 =	sadd.s32 $0x138000, s3;
	p0 =	sne.s32 s19, $0x0  }
0xb: {  	_ =	strace $0x80000047;
	s11 =	smul.u32 $0x138800, s9;
	s29 =	ssub.s32 $0x2, s9  }
0xc: {  	s9 =	sshll.u32 s9, $0x4;
	s21 =	sshrl.u32 @!p0 s21, $0x3;
	s13 =	sshrl.u32 s29, $0x1  }
0xd: {  	s9 =	sor.u32 s19, s9;
	s31 =	sshrl.u32 s14, $0x2;
	s14 =	simm.s32 $0x80  }
0xe: {  	s19 =	sshll.u32 s19, $0x6;
	s13 =	ssub.s32 s29, s13;
	s8 =	smul.u32 $0x2710, s9  }
0xf: {  	s30 =	sadd.s32 s12, s11;
	s11 =	sshrl.u32 s11, $0x3;
	s20 =	sadd.s32 s31, s3  }
0x10: {  	s12 =	sshrl.u32 @!p0 s3, $0x3;
	s19 =	sor.u32 $0x1C02, s19;
	s9 =	sshrl.u32 s30, $0x3  }
0x11: {  	s20 =	sshrl.u32 s20, $0x3;
	s9 =	sadd.s32 s10, s9;
	s10 =	sadd.s32 s10, s11  }
0x12: {  	s11 =	smax.u32 s13, $0x1;
	s13 =	simm.s32 $0x2;
	s10 =	sadd.s32 $0x27000, s10  }
.LBB2_1:
0x13: {  	s22 =	simm.s32 @!p0 $0x1C02  }
0x14: {  	[spmem:s12], [sflag:s22] =	dma.local @!p0 [hbm:s7], $0x27100  }
0x15: {  	s22 =	simm.s32 @!p0 $0x2  }
0x16: {  	_ =	swait.ge @!p0 [sflag:s22], $0x27100  }
0x17: {  	[sflag:s22] =	ssyncset.done @!p0 $0x0  }
0x18: {  	[sflag:s22] =	ssyncadd.s32 @!p0 $0xFFFD8F00  }
0x19: {  	s22 =	simm.s32 $0x0;
	[bflag:$0x0] =	sbarrier.arrive $0xFFFF  }
.LBB2_2:
0x1a: {  	s23 =	smul.u32 $0x50, s22;
	_ =	sdelay $0x1  }
0x1b: {  	s23 =	sadd.s32 s8, s23  }
0x1c: {  	s23 =	sshrl.u32 s23, $0x3  }
0x1d: {  	s25 =	simm.s32 $0x0;
	s24 =	sadd.s32 s5, s23  }
0x1e: {  	[tilespmem:s25], [sflag:$0x2] =	stream.linear.gather [hbm4b:s24+s25], $0x50, $0x38;
	[tilespmem:$0x16200] =	vst v63  }
0x1f: {  	_ =	swait.ge [sflag:s13], $0x50  }
0x20: {  	[sflag:s13] =	ssyncset.done $0x0  }
0x21: {  	s31 =	sadd.s32 s6, s23;
	[sflag:s13] =	ssyncadd.s32 $0xFFFFFFB0  }
0x22: {  	[tilespmem:s14], [sflag:$0x2] =	stream.linear.gather [hbm4b:s31+s25], $0x50, $0x38;
	[tilespmem:$0x16200] =	vst v63  }
0x23: {  	_ =	swait.ge [sflag:s13], $0x50  }
0x24: {  	[sflag:s13] =	ssyncset.done $0x0  }
0x25: {  	s23 =	sadd.s32 s2, s23;
	[sflag:s13] =	ssyncadd.s32 $0xFFFFFFB0  }
0x26: {  	[tilespmem:s15], [sflag:$0x2] =	stream.linear.gather [hbm4b:s23+s25], $0x50, $0x38;
	[tilespmem:$0x16200] =	vst v63  }
0x27: {  	_ =	swait.ge [sflag:s13], $0x50  }
0x28: {  	[sflag:s13] =	ssyncset.done $0x0  }
0x29: {  	[sflag:s13] =	ssyncadd.s32 $0xFFFFFFB0  }
0x2a: {  	[tilespmem:s17], [sflag:$0x1] =	stream.indirect.gather [hbm4b:s1+s16], $0x80, s25, s16, $0xb8;
	[tilespmem:$0x16200] =	vst v63  }
0x2b: {  	_ =	swait.ge [sflag:s18], $0x2800  }
0x2c: {  	v0 =	vmov s25;
	[sflag:s18] =	ssyncset.done $0x0  }
0x2d: {  	s23 =	simm.s32 $0x1C0;
	[sflag:s18] =	ssyncadd.s32 $0xFFFFD800  }
0x2e: {  	v4 =	vld [tilespmem:s23+$0x30]  }
0x2f: {  	v7 =	vld [tilespmem:s23+$0x10]  }
0x30: {  	v5 =	vld [tilespmem:s23+$0xFFFFFFC0]  }
0x31: {  	v1 =	vld.idx.msk [tilespmem:v0+s15+$0x0], $0xffff  }
0x32: {  	v9 =	vld [tilespmem:s23+$0xFFFFFFE0]  }
0x33: {  	v0 =	vld [tilespmem:s23+$0xFFFFFFF0]  }
0x34: {  	v2 =	vld [tilespmem:s23+$0x20]  }
0x35: {  	v3 =	vld [tilespmem:s23+$0xFFFFFFD0]  }
0x36: {  	v8 =	vmul.f32 v4, v1;
	v4 =	vld [tilespmem:s23+$0x0]  }
0x37: {  	v6 =	vmul.f32 v5, v1  }
0x38: {  	s24 =	simm.s32 $0x1;
	s25 =	simm.s32 $0x1C0;
	v5 =	vmul.f32 v9, v1;
	v7 =	vmul.f32 v7, v1  }
.LBB2_3:
0x39: {  	p1 =	sne.s32 s24, $0x4F  }
0x3a: {  	v3 =	vmul.f32 v3, v1;
	v2 =	vmul.f32 v2, v1;
	[tilespmem:s23+$0x30] =	vst v8;
	s25 =	sadd.s32 $0x80, s25;
	s26 =	smov.u32 s24;
	s24 =	sadd.s32 $0x1, s24  }
0x3b: {  	[tilespmem:s23+$0xFFFFFFC0] =	vst v6;
	v6 =	vmul.f32 v0, v1;
	v1 =	vmul.f32 v4, v1  }
0x3c: {  	[tilespmem:s23+$0x10] =	vst v7  }
0x3d: {  	v4 =	vmov s26;
	[tilespmem:s23+$0xFFFFFFE0] =	vst v5  }
0x3e: {  	v0 =	vld [tilespmem:s25+$0xFFFFFFF0];
	[tilespmem:s23+$0xFFFFFFF0] =	vst v6  }
0x3f: {  	v5 =	vld [tilespmem:s25+$0x30];
	[tilespmem:s23+$0x0] =	vst v1  }
0x40: {  	v7 =	vld [tilespmem:s25+$0x10];
	[tilespmem:s23+$0x20] =	vst v2  }
0x41: {  	v6 =	vld [tilespmem:s25+$0xFFFFFFC0];
	[tilespmem:s23+$0xFFFFFFD0] =	vst v3;
	s23 =	smov.u32 s25  }
0x42: {  	v1 =	vld.idx.msk [tilespmem:v4+s15+$0x0], $0xffff  }
0x43: {  	v9 =	vld [tilespmem:s25+$0xFFFFFFE0]  }
0x44: {  	v2 =	vld [tilespmem:s25+$0x20]  }
.Ltmp0:
0x45: {  	v3 =	vld [tilespmem:s25+$0xFFFFFFD0];
	(pc) =	sbr.rel @p1 .LBB2_3-.Ltmp0, $3  }
0x46: {  	v4 =	vld [tilespmem:s25+$0x0];
	_ =	sdelay $0x1  }
0x47: {  	v6 =	vmul.f32 v6, v1;
	v8 =	vmul.f32 v5, v1  }
0x48: {  	v7 =	vmul.f32 v7, v1;
	v5 =	vmul.f32 v9, v1  }
0x49: {  	[tilespmem:s23+$0x30] =	vst v8  }
0x4a: {  	[tilespmem:s23+$0xFFFFFFC0] =	vst v6  }
0x4b: {  	v0 =	vmul.f32 v0, v1;
	[tilespmem:s23+$0x10] =	vst v7  }
0x4c: {  	v2 =	vmul.f32 v2, v1;
	[tilespmem:s23+$0xFFFFFFE0] =	vst v5  }
0x4d: {  	v63 =	vmul.f32 v3, v1;
	[tilespmem:s23+$0xFFFFFFF0] =	vst v0  }
0x4e: {  	s22 =	sadd.s32 $0x1, s22;
	v4 =	vmul.f32 v4, v1;
	[tilespmem:s23+$0x20] =	vst v2  }
0x4f: {  	p1 =	sne.s32 s22, $0x7D;
	[tilespmem:s23+$0xFFFFFFD0] =	vst v63  }
.Ltmp1:
0x50: {  	[tilespmem:s23+$0x0] =	vst v4;
	(pc) =	sbr.rel @p1 .LBB2_2-.Ltmp1, $4  }
0x51: {  	[spmem:s3] =	stream.indirect.scatter.add.f32 [tilespmem:s17], [sflag:$0x2], $0x80, s14, s16, $0xb8;
	[tilespmem:$0x16200] =	vst v63  }
0x52: {  	_ =	swait.ge [sflag:s13], $0x2800  }
0x53: {  	[sflag:s13] =	ssyncset.done $0x0  }
0x54: {  	[sflag:s13] =	ssyncadd.s32 $0xFFFFD800  }
0x55: {  	[bflag:$0x0] =	sbarrier.arrive $0xFFFF  }
0x56: {  	[hbm:s9], [sflag:s19] =	dma.local [spmem:s20], $0x2700  }
0x57: {  	s4 =	sadd.s32 $0x1, s4;
	_ =	swait.ge [sflag:s13], $0x2700  }
0x58: {  	p1 =	sne.s32 s4, s11;
	[sflag:s13] =	ssyncset.done $0x0  }
.Ltmp2:
0x59: {  	s22 =	simm.s32 @!p0 $0x2;
	[sflag:s13] =	ssyncadd.s32 $0xFFFFD900;
	(pc) =	sbr.rel @p1 .LBB2_1-.Ltmp2, $4  }
0x5a: {  	[hbm:s10], [sflag:s19] =	dma.local @!p0 [spmem:s21], $0x100  }
0x5b: {  	_ =	swait.ge @!p0 [sflag:s22], $0x100  }
0x5c: {  	[sflag:s22] =	ssyncset.done @!p0 $0x0  }
0x5d: {  	[sflag:s22] =	ssyncadd.s32 @!p0 $0xFFFFFF00  }
0x5e: {  	_ =	sfence.sel $0x180000  }
0x5f: {  	[bflag:$0x0] =	sbarrier.arrive $0xFFFF  }
0x60: {  	_ =	strace $0x90000047  }
0x61: {  	s0 =	sadd.s32 @!p0 $0x100000, s0;
	[bflag:$0x2] =	sbarrier.arrive $0xFFFF  }
0x62: {  	[sflag:s0] =	ssyncadd.tile.s32 @!p0 $0x1;
	_ =	shalt  }
.Lfunc_end2:
_tile_overlayer_lowered:
.L_overlay_start_2:
0x63: {  	(tag) =	ssettag $0x2  }
0x64: {  	s0 =	rddreg [dreg:$0x0];
	s2 =	stileid.u32  }
0x65: {  	s1 =	rddreg [dreg:$0x1];
	p0 =	sne.s32 s2, $0x0  }
0x66: {  	s3 =	rddreg [dreg:$0x2];
	[bflag:$0x3] =	sbarrier.arrive $0xFFFF;
	s2 =	simm.s32 @!p0 $0x1C02  }
0x67: {  	[timem:s3], [sflag:s2] =	dma.local @!p0 [hbm:s0], s1  }
0x68: {  	s0 =	simm.s32 @!p0 $0x2  }
0x69: {  	_ =	swait.ge @!p0 [sflag:s0], s1  }
0x6a: {  	s1 =	ssub.s32 @!p0 $0x0, s1;
	[sflag:s0] =	ssyncset.done @!p0 $0x0  }
0x6b: {  	[sflag:s0] =	ssyncadd.s32 @!p0 s1  }
0x6c: {  	[bflag:$0x3] =	sbarrier.arrive $0xFFFF  }
0x6d: {  	_ =	shalt  }

</sc_bundles>
